<compile_context>
chip_gen: v7x
topology: tpu7x:2x2x1
jax: 0.10.2.dev20260603
libtpu: 0.0.44.dev20260713+nightly
codegen_flags: <defaults>
</compile_context>

<pallas_src>
import functools

import jax
import jax.numpy as jnp
from jax import lax
from jax.experimental import pallas as pl
from jax.experimental.pallas import tpu as pltpu
from jax.experimental.pallas import tpu_sc as plsc

VOCAB = 100000
EMBED_DIM = 128
LANES = 16
CHUNK = 128


def _make_kernel(batch, seq_len):
    info = plsc.get_sparse_core_info()
    nc, ns = info.num_cores, info.num_subcores
    nw = nc * ns
    total = batch * seq_len
    per_w = total // nw
    n_chunks = per_w // CHUNK
    w_per_row = seq_len // per_w

    mesh = plsc.VectorSubcoreMesh(core_axis_name="c", subcore_axis_name="s")

    @functools.partial(
        pl.kernel,
        mesh=mesh,
        out_type=jax.ShapeDtypeStruct((total, EMBED_DIM), jnp.float32),
        scratch_types=[
            pltpu.VMEM((1, per_w), jnp.int32),
            pltpu.VMEM((per_w, EMBED_DIM), jnp.float32),
            pltpu.VMEM((n_chunks, CHUNK), jnp.int32),
            pltpu.VMEM_SHARED((ns * per_w, EMBED_DIM), jnp.float32),
        ]
        + [pltpu.SemaphoreType.DMA] * (2 * n_chunks)
        + [pltpu.SemaphoreType.DMA, pltpu.SemaphoreType.DMA],
    )
    def emb(x_hbm, tok_hbm, pos_hbm, out_hbm,
            idx_v, rows_v, sidx_v, shared, *sems):
        g_sems = sems[:n_chunks]
        p_sems = sems[n_chunks:2 * n_chunks]
        out_sem, idx_sem = sems[2 * n_chunks], sems[2 * n_chunks + 1]
        sid = lax.axis_index("s")
        wid = sid * nc + lax.axis_index("c")
        base = wid * per_w
        b = lax.div(wid, w_per_row)
        s0 = lax.rem(base, seq_len)
        blk = sid * per_w

        idx_cp = pltpu.async_copy(
            x_hbm.at[pl.ds(b, 1), pl.ds(s0, per_w)], idx_v, idx_sem)
        for i in range(n_chunks):
            for j in range(CHUNK // LANES):
                sidx_v[i, pl.ds(j * LANES, LANES)] = (
                    lax.iota(jnp.int32, LANES) + (blk + i * CHUNK + j * LANES))
        idx_cp.wait()
        gathers, fills = [], []
        for i in range(n_chunks):
            sl = pl.ds(i * CHUNK, CHUNK)
            gathers.append(
                pltpu.async_copy(
                    tok_hbm.at[idx_v.at[0, sl]], rows_v.at[sl], g_sems[i]))
            fills.append(
                pltpu.async_copy(
                    pos_hbm.at[pl.ds(s0 + i * CHUNK, CHUNK)],
                    shared.at[pl.ds(blk + i * CHUNK, CHUNK)], p_sems[i]))
        stores = []
        for i in range(n_chunks):
            sl = pl.ds(i * CHUNK, CHUNK)
            gathers[i].wait()
            fills[i].wait()
            pltpu.sync_copy(rows_v.at[sl], shared.at[sidx_v.at[i]], add=True)
            stores.append(
                pltpu.async_copy(
                    shared.at[pl.ds(blk + i * CHUNK, CHUNK)],
                    out_hbm.at[pl.ds(base + i * CHUNK, CHUNK)], out_sem))
        for st in stores:
            st.wait()

    return emb


@jax.jit
def kernel(x, token_table, position_table):
    batch, seq_len = x.shape
    emb = _make_kernel(batch, seq_len)
    out = emb(x, token_table, position_table)
    return out.reshape(batch, seq_len, EMBED_DIM)

# --- scband reference (transcript-rebuilt; emitter-appended) ---
"""Pipeline reference for scband-gpt2-embedding-56075093016581 (READ-ONLY COPY).

The authoritative reference and input builder live on the scoring server;
editing this copy changes nothing except your own understanding.
"""

import jax, jax.numpy as jnp
import numpy as np

VOCAB = 100000
EMBED_DIM = 128
MAX_SEQ_LEN = 2048
BATCH = 4
SEQ_LEN = 2048


def setup_inputs(seed: int = 0) -> dict:
    key = jax.random.key(seed)
    k_x, k_tok, k_pos = jax.random.split(key, 3)
    x = jax.random.randint(k_x, (BATCH, SEQ_LEN), 0, VOCAB, dtype=jnp.int64 if jax.config.jax_enable_x64 else jnp.int32)
    token_table = jax.random.normal(k_tok, (VOCAB, EMBED_DIM), dtype=jnp.float32) * 0.02
    position_table = jax.random.normal(k_pos, (MAX_SEQ_LEN, EMBED_DIM), dtype=jnp.float32) * 0.02
    return {"x": x, "token_table": token_table, "position_table": position_table}


def reference(x, token_table, position_table):
    seq_len = x.shape[1]
    positions = jnp.arange(0, seq_len)[None, :]  # [1, seq_len]
    token_embed = jnp.take(token_table, x, axis=0)          # [B, S, D]
    position_embed = jnp.take(position_table, positions, axis=0)  # [1, S, D]
    return token_embed + position_embed

if __name__ == "__main__":
    import jax
    _d = setup_inputs()
    print(jax.jit(kernel)(*tuple(_d.values())))

</pallas_src>

<mosaic_0001>
#map = affine_map<(d0, d1) -> (0, 0)>
module attributes {stable_mosaic.version = 14 : i64} {
  func.func @emb(%arg0: i32, %arg1: i32, %arg2: memref<4x2048xi32, #tpu.memory_space<hbm>>, %arg3: memref<100000x128xf32, #tpu.memory_space<hbm>>, %arg4: memref<2048x128xf32, #tpu.memory_space<hbm>>, %arg5: memref<8192x128xf32, #tpu.memory_space<hbm>>, %arg6: memref<1x256xi32, #tpu.memory_space<vmem>>, %arg7: memref<256x128xf32, #tpu.memory_space<vmem>>, %arg8: memref<2x128xi32, #tpu.memory_space<vmem>>, %arg9: memref<4096x128xf32, #tpu.memory_space<vmem_shared>>, %arg10: memref<!tpu.dma_semaphore, #tpu.memory_space<semaphore_mem>>, %arg11: memref<!tpu.dma_semaphore, #tpu.memory_space<semaphore_mem>>, %arg12: memref<!tpu.dma_semaphore, #tpu.memory_space<semaphore_mem>>, %arg13: memref<!tpu.dma_semaphore, #tpu.memory_space<semaphore_mem>>, %arg14: memref<!tpu.dma_semaphore, #tpu.memory_space<semaphore_mem>>, %arg15: memref<!tpu.dma_semaphore, #tpu.memory_space<semaphore_mem>>) attributes {dimension_semantics = [#tpu.dimension_semantics<core_parallel>, #tpu.dimension_semantics<subcore_parallel>], iteration_bounds = array<i64: 2, 16>, scalar_prefetch = 0 : i64, scratch_operands = 10 : i64, tpu.core_type = #tpu.core_type<sc_vector_subcore>, window_params = [{transform_indices = #map}, {transform_indices = #map}, {transform_indices = #map}, {transform_indices = #map}]} {
    %mul3A = arith.constant 2 : i32
    %mul3A_0 = arith.muli %arg1, %mul3A : i32
    %add3A = arith.addi %mul3A_0, %arg0 : i32
    %mul3A_1 = arith.constant 256 : i32
    %mul3A_2 = arith.muli %add3A, %mul3A_1 : i32
    %div3A = arith.constant 8 : i32
    %div3A_3 = arith.divsi %add3A, %div3A : i32
    %rem3A = arith.constant 2048 : i32
    %rem3A_4 = arith.remsi %mul3A_2, %rem3A : i32
    %mul3A_5 = arith.constant 256 : i32
    %mul3A_6 = arith.muli %arg1, %mul3A_5 : i32
    %dma_start3A = tpu.memref_slice %arg2[%div3A_3, %rem3A_4] : memref<4x2048xi32, #tpu.memory_space<hbm>> -> memref<1x256xi32, #tpu.memory_space<hbm>>
    %dma_start3A_7 = tpu.memref_slice %arg2[%div3A_3, %rem3A_4] : memref<4x2048xi32, #tpu.memory_space<hbm>> -> memref<1x256xi32, #tpu.memory_space<hbm>>
    tpu.enqueue_dma source(%dma_start3A_7 : memref<1x256xi32, #tpu.memory_space<hbm>>) target(%arg6 : memref<1x256xi32, #tpu.memory_space<vmem>>) target_semaphore(%arg15 : memref<!tpu.dma_semaphore, #tpu.memory_space<semaphore_mem>>)
    %iota3A = tpu.iota {dimensions = array<i32: 0>} : vector<16xi32>
    %add3A_8 = arith.constant 0 : i32
    %add3A_9 = arith.addi %mul3A_6, %add3A_8 : i32
    %add3A_10 = arith.constant 0 : i32
    %add3A_11 = arith.addi %add3A_9, %add3A_10 : i32
    %add3A_12 = vector.broadcast %add3A_11 : i32 to vector<16xi32>
    %add3A_13 = arith.addi %iota3A, %add3A_12 : vector<16xi32>
    %swap3A = arith.constant 0 : i32
    %swap3A_14 = arith.index_cast %swap3A : i32 to index
    %swap3A_15 = arith.constant 0 : index
    %swap3A_16 = tpu.vector_load %arg8[%swap3A_14, %swap3A_15] {strides = array<i32>} : memref<2x128xi32, #tpu.memory_space<vmem>>, vector<1x16xi32>,
    %swap3A_17 = vector.shape_cast %swap3A_16 : vector<1x16xi32> to vector<16xi32>
    %swap3A_18 = vector.shape_cast %add3A_13 : vector<16xi32> to vector<1x16xi32>
    tpu.vector_store %arg8[%swap3A_14, %swap3A_15], %swap3A_18 {strides = array<i32>} : memref<2x128xi32, #tpu.memory_space<vmem>>, vector<1x16xi32>,
    %iota3A_19 = tpu.iota {dimensions = array<i32: 0>} : vector<16xi32>
    %add3A_20 = arith.constant 0 : i32
    %add3A_21 = arith.addi %mul3A_6, %add3A_20 : i32
    %add3A_22 = arith.constant 16 : i32
    %add3A_23 = arith.addi %add3A_21, %add3A_22 : i32
    %add3A_24 = vector.broadcast %add3A_23 : i32 to vector<16xi32>
    %add3A_25 = arith.addi %iota3A_19, %add3A_24 : vector<16xi32>
    %swap3A_26 = arith.constant 0 : i32
    %swap3A_27 = arith.index_cast %swap3A_26 : i32 to index
    %swap3A_28 = arith.constant 16 : index
    %swap3A_29 = tpu.vector_load %arg8[%swap3A_27, %swap3A_28] {strides = array<i32>} : memref<2x128xi32, #tpu.memory_space<vmem>>, vector<1x16xi32>,
    %swap3A_30 = vector.shape_cast %swap3A_29 : vector<1x16xi32> to vector<16xi32>
    %swap3A_31 = vector.shape_cast %add3A_25 : vector<16xi32> to vector<1x16xi32>
    tpu.vector_store %arg8[%swap3A_27, %swap3A_28], %swap3A_31 {strides = array<i32>} : memref<2x128xi32, #tpu.memory_space<vmem>>, vector<1x16xi32>,
    %iota3A_32 = tpu.iota {dimensions = array<i32: 0>} : vector<16xi32>
    %add3A_33 = arith.constant 0 : i32
    %add3A_34 = arith.addi %mul3A_6, %add3A_33 : i32
    %add3A_35 = arith.constant 32 : i32
    %add3A_36 = arith.addi %add3A_34, %add3A_35 : i32
    %add3A_37 = vector.broadcast %add3A_36 : i32 to vector<16xi32>
    %add3A_38 = arith.addi %iota3A_32, %add3A_37 : vector<16xi32>
    %swap3A_39 = arith.constant 0 : i32
    %swap3A_40 = arith.index_cast %swap3A_39 : i32 to index
    %swap3A_41 = arith.constant 32 : index
    %swap3A_42 = tpu.vector_load %arg8[%swap3A_40, %swap3A_41] {strides = array<i32>} : memref<2x128xi32, #tpu.memory_space<vmem>>, vector<1x16xi32>,
    %swap3A_43 = vector.shape_cast %swap3A_42 : vector<1x16xi32> to vector<16xi32>
    %swap3A_44 = vector.shape_cast %add3A_38 : vector<16xi32> to vector<1x16xi32>
    tpu.vector_store %arg8[%swap3A_40, %swap3A_41], %swap3A_44 {strides = array<i32>} : memref<2x128xi32, #tpu.memory_space<vmem>>, vector<1x16xi32>,
    %iota3A_45 = tpu.iota {dimensions = array<i32: 0>} : vector<16xi32>
    %add3A_46 = arith.constant 0 : i32
    %add3A_47 = arith.addi %mul3A_6, %add3A_46 : i32
    %add3A_48 = arith.constant 48 : i32
    %add3A_49 = arith.addi %add3A_47, %add3A_48 : i32
    %add3A_50 = vector.broadcast %add3A_49 : i32 to vector<16xi32>
    %add3A_51 = arith.addi %iota3A_45, %add3A_50 : vector<16xi32>
    %swap3A_52 = arith.constant 0 : i32
    %swap3A_53 = arith.index_cast %swap3A_52 : i32 to index
    %swap3A_54 = arith.constant 48 : index
    %swap3A_55 = tpu.vector_load %arg8[%swap3A_53, %swap3A_54] {strides = array<i32>} : memref<2x128xi32, #tpu.memory_space<vmem>>, vector<1x16xi32>,
    %swap3A_56 = vector.shape_cast %swap3A_55 : vector<1x16xi32> to vector<16xi32>
    %swap3A_57 = vector.shape_cast %add3A_51 : vector<16xi32> to vector<1x16xi32>
    tpu.vector_store %arg8[%swap3A_53, %swap3A_54], %swap3A_57 {strides = array<i32>} : memref<2x128xi32, #tpu.memory_space<vmem>>, vector<1x16xi32>,
    %iota3A_58 = tpu.iota {dimensions = array<i32: 0>} : vector<16xi32>
    %add3A_59 = arith.constant 0 : i32
    %add3A_60 = arith.addi %mul3A_6, %add3A_59 : i32
    %add3A_61 = arith.constant 64 : i32
    %add3A_62 = arith.addi %add3A_60, %add3A_61 : i32
    %add3A_63 = vector.broadcast %add3A_62 : i32 to vector<16xi32>
    %add3A_64 = arith.addi %iota3A_58, %add3A_63 : vector<16xi32>
    %swap3A_65 = arith.constant 0 : i32
    %swap3A_66 = arith.index_cast %swap3A_65 : i32 to index
    %swap3A_67 = arith.constant 64 : index
    %swap3A_68 = tpu.vector_load %arg8[%swap3A_66, %swap3A_67] {strides = array<i32>} : memref<2x128xi32, #tpu.memory_space<vmem>>, vector<1x16xi32>,
    %swap3A_69 = vector.shape_cast %swap3A_68 : vector<1x16xi32> to vector<16xi32>
    %swap3A_70 = vector.shape_cast %add3A_64 : vector<16xi32> to vector<1x16xi32>
    tpu.vector_store %arg8[%swap3A_66, %swap3A_67], %swap3A_70 {strides = array<i32>} : memref<2x128xi32, #tpu.memory_space<vmem>>, vector<1x16xi32>,
    %iota3A_71 = tpu.iota {dimensions = array<i32: 0>} : vector<16xi32>
    %add3A_72 = arith.constant 0 : i32
    %add3A_73 = arith.addi %mul3A_6, %add3A_72 : i32
    %add3A_74 = arith.constant 80 : i32
    %add3A_75 = arith.addi %add3A_73, %add3A_74 : i32
    %add3A_76 = vector.broadcast %add3A_75 : i32 to vector<16xi32>
    %add3A_77 = arith.addi %iota3A_71, %add3A_76 : vector<16xi32>
    %swap3A_78 = arith.constant 0 : i32
    %swap3A_79 = arith.index_cast %swap3A_78 : i32 to index
    %swap3A_80 = arith.constant 80 : index
    %swap3A_81 = tpu.vector_load %arg8[%swap3A_79, %swap3A_80] {strides = array<i32>} : memref<2x128xi32, #tpu.memory_space<vmem>>, vector<1x16xi32>,
    %swap3A_82 = vector.shape_cast %swap3A_81 : vector<1x16xi32> to vector<16xi32>
    %swap3A_83 = vector.shape_cast %add3A_77 : vector<16xi32> to vector<1x16xi32>
    tpu.vector_store %arg8[%swap3A_79, %swap3A_80], %swap3A_83 {strides = array<i32>} : memref<2x128xi32, #tpu.memory_space<vmem>>, vector<1x16xi32>,
    %iota3A_84 = tpu.iota {dimensions = array<i32: 0>} : vector<16xi32>
    %add3A_85 = arith.constant 0 : i32
    %add3A_86 = arith.addi %mul3A_6, %add3A_85 : i32
    %add3A_87 = arith.constant 96 : i32
    %add3A_88 = arith.addi %add3A_86, %add3A_87 : i32
    %add3A_89 = vector.broadcast %add3A_88 : i32 to vector<16xi32>
    %add3A_90 = arith.addi %iota3A_84, %add3A_89 : vector<16xi32>
    %swap3A_91 = arith.constant 0 : i32
    %swap3A_92 = arith.index_cast %swap3A_91 : i32 to index
    %swap3A_93 = arith.constant 96 : index
    %swap3A_94 = tpu.vector_load %arg8[%swap3A_92, %swap3A_93] {strides = array<i32>} : memref<2x128xi32, #tpu.memory_space<vmem>>, vector<1x16xi32>,
    %swap3A_95 = vector.shape_cast %swap3A_94 : vector<1x16xi32> to vector<16xi32>
    %swap3A_96 = vector.shape_cast %add3A_90 : vector<16xi32> to vector<1x16xi32>
    tpu.vector_store %arg8[%swap3A_92, %swap3A_93], %swap3A_96 {strides = array<i32>} : memref<2x128xi32, #tpu.memory_space<vmem>>, vector<1x16xi32>,
    %iota3A_97 = tpu.iota {dimensions = array<i32: 0>} : vector<16xi32>
    %add3A_98 = arith.constant 0 : i32
    %add3A_99 = arith.addi %mul3A_6, %add3A_98 : i32
    %add3A_100 = arith.constant 112 : i32
    %add3A_101 = arith.addi %add3A_99, %add3A_100 : i32
    %add3A_102 = vector.broadcast %add3A_101 : i32 to vector<16xi32>
    %add3A_103 = arith.addi %iota3A_97, %add3A_102 : vector<16xi32>
    %swap3A_104 = arith.constant 0 : i32
    %swap3A_105 = arith.index_cast %swap3A_104 : i32 to index
    %swap3A_106 = arith.constant 112 : index
    %swap3A_107 = tpu.vector_load %arg8[%swap3A_105, %swap3A_106] {strides = array<i32>} : memref<2x128xi32, #tpu.memory_space<vmem>>, vector<1x16xi32>,
    %swap3A_108 = vector.shape_cast %swap3A_107 : vector<1x16xi32> to vector<16xi32>
    %swap3A_109 = vector.shape_cast %add3A_103 : vector<16xi32> to vector<1x16xi32>
    tpu.vector_store %arg8[%swap3A_105, %swap3A_106], %swap3A_109 {strides = array<i32>} : memref<2x128xi32, #tpu.memory_space<vmem>>, vector<1x16xi32>,
    %iota3A_110 = tpu.iota {dimensions = array<i32: 0>} : vector<16xi32>
    %add3A_111 = arith.constant 128 : i32
    %add3A_112 = arith.addi %mul3A_6, %add3A_111 : i32
    %add3A_113 = arith.constant 0 : i32
    %add3A_114 = arith.addi %add3A_112, %add3A_113 : i32
    %add3A_115 = vector.broadcast %add3A_114 : i32 to vector<16xi32>
    %add3A_116 = arith.addi %iota3A_110, %add3A_115 : vector<16xi32>
    %swap3A_117 = arith.constant 1 : i32
    %swap3A_118 = arith.index_cast %swap3A_117 : i32 to index
    %swap3A_119 = arith.constant 0 : index
    %swap3A_120 = tpu.vector_load %arg8[%swap3A_118, %swap3A_119] {strides = array<i32>} : memref<2x128xi32, #tpu.memory_space<vmem>>, vector<1x16xi32>,
    %swap3A_121 = vector.shape_cast %swap3A_120 : vector<1x16xi32> to vector<16xi32>
    %swap3A_122 = vector.shape_cast %add3A_116 : vector<16xi32> to vector<1x16xi32>
    tpu.vector_store %arg8[%swap3A_118, %swap3A_119], %swap3A_122 {strides = array<i32>} : memref<2x128xi32, #tpu.memory_space<vmem>>, vector<1x16xi32>,
    %iota3A_123 = tpu.iota {dimensions = array<i32: 0>} : vector<16xi32>
    %add3A_124 = arith.constant 128 : i32
    %add3A_125 = arith.addi %mul3A_6, %add3A_124 : i32
    %add3A_126 = arith.constant 16 : i32
    %add3A_127 = arith.addi %add3A_125, %add3A_126 : i32
    %add3A_128 = vector.broadcast %add3A_127 : i32 to vector<16xi32>
    %add3A_129 = arith.addi %iota3A_123, %add3A_128 : vector<16xi32>
    %swap3A_130 = arith.constant 1 : i32
    %swap3A_131 = arith.index_cast %swap3A_130 : i32 to index
    %swap3A_132 = arith.constant 16 : index
    %swap3A_133 = tpu.vector_load %arg8[%swap3A_131, %swap3A_132] {strides = array<i32>} : memref<2x128xi32, #tpu.memory_space<vmem>>, vector<1x16xi32>,
    %swap3A_134 = vector.shape_cast %swap3A_133 : vector<1x16xi32> to vector<16xi32>
    %swap3A_135 = vector.shape_cast %add3A_129 : vector<16xi32> to vector<1x16xi32>
    tpu.vector_store %arg8[%swap3A_131, %swap3A_132], %swap3A_135 {strides = array<i32>} : memref<2x128xi32, #tpu.memory_space<vmem>>, vector<1x16xi32>,
    %iota3A_136 = tpu.iota {dimensions = array<i32: 0>} : vector<16xi32>
    %add3A_137 = arith.constant 128 : i32
    %add3A_138 = arith.addi %mul3A_6, %add3A_137 : i32
    %add3A_139 = arith.constant 32 : i32
    %add3A_140 = arith.addi %add3A_138, %add3A_139 : i32
    %add3A_141 = vector.broadcast %add3A_140 : i32 to vector<16xi32>
    %add3A_142 = arith.addi %iota3A_136, %add3A_141 : vector<16xi32>
    %swap3A_143 = arith.constant 1 : i32
    %swap3A_144 = arith.index_cast %swap3A_143 : i32 to index
    %swap3A_145 = arith.constant 32 : index
    %swap3A_146 = tpu.vector_load %arg8[%swap3A_144, %swap3A_145] {strides = array<i32>} : memref<2x128xi32, #tpu.memory_space<vmem>>, vector<1x16xi32>,
    %swap3A_147 = vector.shape_cast %swap3A_146 : vector<1x16xi32> to vector<16xi32>
    %swap3A_148 = vector.shape_cast %add3A_142 : vector<16xi32> to vector<1x16xi32>
    tpu.vector_store %arg8[%swap3A_144, %swap3A_145], %swap3A_148 {strides = array<i32>} : memref<2x128xi32, #tpu.memory_space<vmem>>, vector<1x16xi32>,
    %iota3A_149 = tpu.iota {dimensions = array<i32: 0>} : vector<16xi32>
    %add3A_150 = arith.constant 128 : i32
    %add3A_151 = arith.addi %mul3A_6, %add3A_150 : i32
    %add3A_152 = arith.constant 48 : i32
    %add3A_153 = arith.addi %add3A_151, %add3A_152 : i32
    %add3A_154 = vector.broadcast %add3A_153 : i32 to vector<16xi32>
    %add3A_155 = arith.addi %iota3A_149, %add3A_154 : vector<16xi32>
    %swap3A_156 = arith.constant 1 : i32
    %swap3A_157 = arith.index_cast %swap3A_156 : i32 to index
    %swap3A_158 = arith.constant 48 : index
    %swap3A_159 = tpu.vector_load %arg8[%swap3A_157, %swap3A_158] {strides = array<i32>} : memref<2x128xi32, #tpu.memory_space<vmem>>, vector<1x16xi32>,
    %swap3A_160 = vector.shape_cast %swap3A_159 : vector<1x16xi32> to vector<16xi32>
    %swap3A_161 = vector.shape_cast %add3A_155 : vector<16xi32> to vector<1x16xi32>
    tpu.vector_store %arg8[%swap3A_157, %swap3A_158], %swap3A_161 {strides = array<i32>} : memref<2x128xi32, #tpu.memory_space<vmem>>, vector<1x16xi32>,
    %iota3A_162 = tpu.iota {dimensions = array<i32: 0>} : vector<16xi32>
    %add3A_163 = arith.constant 128 : i32
    %add3A_164 = arith.addi %mul3A_6, %add3A_163 : i32
    %add3A_165 = arith.constant 64 : i32
    %add3A_166 = arith.addi %add3A_164, %add3A_165 : i32
    %add3A_167 = vector.broadcast %add3A_166 : i32 to vector<16xi32>
    %add3A_168 = arith.addi %iota3A_162, %add3A_167 : vector<16xi32>
    %swap3A_169 = arith.constant 1 : i32
    %swap3A_170 = arith.index_cast %swap3A_169 : i32 to index
    %swap3A_171 = arith.constant 64 : index
    %swap3A_172 = tpu.vector_load %arg8[%swap3A_170, %swap3A_171] {strides = array<i32>} : memref<2x128xi32, #tpu.memory_space<vmem>>, vector<1x16xi32>,
    %swap3A_173 = vector.shape_cast %swap3A_172 : vector<1x16xi32> to vector<16xi32>
    %swap3A_174 = vector.shape_cast %add3A_168 : vector<16xi32> to vector<1x16xi32>
    tpu.vector_store %arg8[%swap3A_170, %swap3A_171], %swap3A_174 {strides = array<i32>} : memref<2x128xi32, #tpu.memory_space<vmem>>, vector<1x16xi32>,
    %iota3A_175 = tpu.iota {dimensions = array<i32: 0>} : vector<16xi32>
    %add3A_176 = arith.constant 128 : i32
    %add3A_177 = arith.addi %mul3A_6, %add3A_176 : i32
    %add3A_178 = arith.constant 80 : i32
    %add3A_179 = arith.addi %add3A_177, %add3A_178 : i32
    %add3A_180 = vector.broadcast %add3A_179 : i32 to vector<16xi32>
    %add3A_181 = arith.addi %iota3A_175, %add3A_180 : vector<16xi32>
    %swap3A_182 = arith.constant 1 : i32
    %swap3A_183 = arith.index_cast %swap3A_182 : i32 to index
    %swap3A_184 = arith.constant 80 : index
    %swap3A_185 = tpu.vector_load %arg8[%swap3A_183, %swap3A_184] {strides = array<i32>} : memref<2x128xi32, #tpu.memory_space<vmem>>, vector<1x16xi32>,
    %swap3A_186 = vector.shape_cast %swap3A_185 : vector<1x16xi32> to vector<16xi32>
    %swap3A_187 = vector.shape_cast %add3A_181 : vector<16xi32> to vector<1x16xi32>
    tpu.vector_store %arg8[%swap3A_183, %swap3A_184], %swap3A_187 {strides = array<i32>} : memref<2x128xi32, #tpu.memory_space<vmem>>, vector<1x16xi32>,
    %iota3A_188 = tpu.iota {dimensions = array<i32: 0>} : vector<16xi32>
    %add3A_189 = arith.constant 128 : i32
    %add3A_190 = arith.addi %mul3A_6, %add3A_189 : i32
    %add3A_191 = arith.constant 96 : i32
    %add3A_192 = arith.addi %add3A_190, %add3A_191 : i32
    %add3A_193 = vector.broadcast %add3A_192 : i32 to vector<16xi32>
    %add3A_194 = arith.addi %iota3A_188, %add3A_193 : vector<16xi32>
    %swap3A_195 = arith.constant 1 : i32
    %swap3A_196 = arith.index_cast %swap3A_195 : i32 to index
    %swap3A_197 = arith.constant 96 : index
    %swap3A_198 = tpu.vector_load %arg8[%swap3A_196, %swap3A_197] {strides = array<i32>} : memref<2x128xi32, #tpu.memory_space<vmem>>, vector<1x16xi32>,
    %swap3A_199 = vector.shape_cast %swap3A_198 : vector<1x16xi32> to vector<16xi32>
    %swap3A_200 = vector.shape_cast %add3A_194 : vector<16xi32> to vector<1x16xi32>
    tpu.vector_store %arg8[%swap3A_196, %swap3A_197], %swap3A_200 {strides = array<i32>} : memref<2x128xi32, #tpu.memory_space<vmem>>, vector<1x16xi32>,
    %iota3A_201 = tpu.iota {dimensions = array<i32: 0>} : vector<16xi32>
    %add3A_202 = arith.constant 128 : i32
    %add3A_203 = arith.addi %mul3A_6, %add3A_202 : i32
    %add3A_204 = arith.constant 112 : i32
    %add3A_205 = arith.addi %add3A_203, %add3A_204 : i32
    %add3A_206 = vector.broadcast %add3A_205 : i32 to vector<16xi32>
    %add3A_207 = arith.addi %iota3A_201, %add3A_206 : vector<16xi32>
    %swap3A_208 = arith.constant 1 : i32
    %swap3A_209 = arith.index_cast %swap3A_208 : i32 to index
    %swap3A_210 = arith.constant 112 : index
    %swap3A_211 = tpu.vector_load %arg8[%swap3A_209, %swap3A_210] {strides = array<i32>} : memref<2x128xi32, #tpu.memory_space<vmem>>, vector<1x16xi32>,
    %swap3A_212 = vector.shape_cast %swap3A_211 : vector<1x16xi32> to vector<16xi32>
    %swap3A_213 = vector.shape_cast %add3A_207 : vector<16xi32> to vector<1x16xi32>
    tpu.vector_store %arg8[%swap3A_209, %swap3A_210], %swap3A_213 {strides = array<i32>} : memref<2x128xi32, #tpu.memory_space<vmem>>, vector<1x16xi32>,
    %dma_wait3A = tpu.memref_slice %arg2[%div3A_3, %rem3A_4] : memref<4x2048xi32, #tpu.memory_space<hbm>> -> memref<1x256xi32, #tpu.memory_space<hbm>>
    %dma_wait3A_214 = tpu.memref_slice %arg2[%div3A_3, %rem3A_4] : memref<4x2048xi32, #tpu.memory_space<hbm>> -> memref<1x256xi32, #tpu.memory_space<hbm>>
    tpu.wait_dma2 semaphore(%arg15 : memref<!tpu.dma_semaphore, #tpu.memory_space<semaphore_mem>>) src(%dma_wait3A_214 : memref<1x256xi32, #tpu.memory_space<hbm>>) dst(%arg6 : memref<1x256xi32, #tpu.memory_space<vmem>>)
    %dma_start3A_215 = arith.constant 0 : i32
    %dma_start3A_216 = arith.constant 0 : i32
    %dma_start3A_217 = arith.constant 0 : i32
    %dma_start3A_218 = tpu.memref_slice %arg7[%dma_start3A_216, %dma_start3A_217] : memref<256x128xf32, #tpu.memory_space<vmem>> -> memref<128x128xf32, #tpu.memory_space<vmem>>
    %dma_start3A_219 = arith.constant 0 : i32
    %dma_start3A_220 = tpu.memref_slice %arg6[%dma_start3A_215, %dma_start3A_219] : memref<1x256xi32, #tpu.memory_space<vmem>> -> memref<1x128xi32, #tpu.memory_space<vmem>>
    %dma_start3A_221 = tpu.memref_squeeze %dma_start3A_220 : memref<1x128xi32, #tpu.memory_space<vmem>> -> memref<128xi32, #tpu.memory_space<vmem>>
    %dma_start3A_222 = arith.constant 0 : i32
    %dma_start3A_223 = arith.constant 0 : i32
    %dma_start3A_224 = tpu.memref_slice %arg3[%dma_start3A_222, %dma_start3A_223] : memref<100000x128xf32, #tpu.memory_space<hbm>> -> memref<100000x128xf32, #tpu.memory_space<hbm>>
    tpu.enqueue_indirect_dma source(%dma_start3A_224 : memref<100000x128xf32, #tpu.memory_space<hbm>>) target(%dma_start3A_218 : memref<128x128xf32, #tpu.memory_space<vmem>>) offsets(%dma_start3A_221 : memref<128xi32, #tpu.memory_space<vmem>>) semaphore(%arg10 : memref<!tpu.dma_semaphore, #tpu.memory_space<semaphore_mem>>)
    %add3A_225 = arith.constant 0 : i32
    %add3A_226 = arith.addi %rem3A_4, %add3A_225 : i32
    %add3A_227 = arith.constant 0 : i32
    %add3A_228 = arith.addi %mul3A_6, %add3A_227 : i32
    %dma_start3A_229 = arith.constant 0 : i32
    %dma_start3A_230 = tpu.memref_slice %arg9[%add3A_228, %dma_start3A_229] : memref<4096x128xf32, #tpu.memory_space<vmem_shared>> -> memref<128x128xf32, #tpu.memory_space<vmem_shared>>
    %dma_start3A_231 = arith.constant 0 : i32
    %dma_start3A_232 = tpu.memref_slice %arg4[%add3A_226, %dma_start3A_231] : memref<2048x128xf32, #tpu.memory_space<hbm>> -> memref<128x128xf32, #tpu.memory_space<hbm>>
    tpu.enqueue_dma source(%dma_start3A_232 : memref<128x128xf32, #tpu.memory_space<hbm>>) target(%dma_start3A_230 : memref<128x128xf32, #tpu.memory_space<vmem_shared>>) target_semaphore(%arg12 : memref<!tpu.dma_semaphore, #tpu.memory_space<semaphore_mem>>)
    %dma_start3A_233 = arith.constant 0 : i32
    %dma_start3A_234 = arith.constant 128 : i32
    %dma_start3A_235 = arith.constant 0 : i32
    %dma_start3A_236 = tpu.memref_slice %arg7[%dma_start3A_234, %dma_start3A_235] : memref<256x128xf32, #tpu.memory_space<vmem>> -> memref<128x128xf32, #tpu.memory_space<vmem>>
    %dma_start3A_237 = arith.constant 128 : i32
    %dma_start3A_238 = tpu.memref_slice %arg6[%dma_start3A_233, %dma_start3A_237] : memref<1x256xi32, #tpu.memory_space<vmem>> -> memref<1x128xi32, #tpu.memory_space<vmem>>
    %dma_start3A_239 = tpu.memref_squeeze %dma_start3A_238 : memref<1x128xi32, #tpu.memory_space<vmem>> -> memref<128xi32, #tpu.memory_space<vmem>>
    %dma_start3A_240 = arith.constant 0 : i32
    %dma_start3A_241 = arith.constant 0 : i32
    %dma_start3A_242 = tpu.memref_slice %arg3[%dma_start3A_240, %dma_start3A_241] : memref<100000x128xf32, #tpu.memory_space<hbm>> -> memref<100000x128xf32, #tpu.memory_space<hbm>>
    tpu.enqueue_indirect_dma source(%dma_start3A_242 : memref<100000x128xf32, #tpu.memory_space<hbm>>) target(%dma_start3A_236 : memref<128x128xf32, #tpu.memory_space<vmem>>) offsets(%dma_start3A_239 : memref<128xi32, #tpu.memory_space<vmem>>) semaphore(%arg11 : memref<!tpu.dma_semaphore, #tpu.memory_space<semaphore_mem>>)
    %add3A_243 = arith.constant 128 : i32
    %add3A_244 = arith.addi %rem3A_4, %add3A_243 : i32
    %add3A_245 = arith.constant 128 : i32
    %add3A_246 = arith.addi %mul3A_6, %add3A_245 : i32
    %dma_start3A_247 = arith.constant 0 : i32
    %dma_start3A_248 = tpu.memref_slice %arg9[%add3A_246, %dma_start3A_247] : memref<4096x128xf32, #tpu.memory_space<vmem_shared>> -> memref<128x128xf32, #tpu.memory_space<vmem_shared>>
    %dma_start3A_249 = arith.constant 0 : i32
    %dma_start3A_250 = tpu.memref_slice %arg4[%add3A_244, %dma_start3A_249] : memref<2048x128xf32, #tpu.memory_space<hbm>> -> memref<128x128xf32, #tpu.memory_space<hbm>>
    tpu.enqueue_dma source(%dma_start3A_250 : memref<128x128xf32, #tpu.memory_space<hbm>>) target(%dma_start3A_248 : memref<128x128xf32, #tpu.memory_space<vmem_shared>>) target_semaphore(%arg13 : memref<!tpu.dma_semaphore, #tpu.memory_space<semaphore_mem>>)
    %dma_wait3A_251 = arith.constant 0 : i32
    %dma_wait3A_252 = arith.constant 0 : i32
    %dma_wait3A_253 = arith.constant 0 : i32
    %dma_wait3A_254 = tpu.memref_slice %arg7[%dma_wait3A_252, %dma_wait3A_253] : memref<256x128xf32, #tpu.memory_space<vmem>> -> memref<128x128xf32, #tpu.memory_space<vmem>>
    %dma_wait3A_255 = arith.constant 0 : i32
    %dma_wait3A_256 = tpu.memref_slice %arg6[%dma_wait3A_251, %dma_wait3A_255] : memref<1x256xi32, #tpu.memory_space<vmem>> -> memref<1x128xi32, #tpu.memory_space<vmem>>
    %dma_wait3A_257 = tpu.memref_squeeze %dma_wait3A_256 : memref<1x128xi32, #tpu.memory_space<vmem>> -> memref<128xi32, #tpu.memory_space<vmem>>
    %dma_wait3A_258 = arith.constant 0 : i32
    %dma_wait3A_259 = arith.constant 0 : i32
    %dma_wait3A_260 = tpu.memref_slice %arg3[%dma_wait3A_258, %dma_wait3A_259] : memref<100000x128xf32, #tpu.memory_space<hbm>> -> memref<100000x128xf32, #tpu.memory_space<hbm>>
    tpu.wait_indirect_dma semaphore(%arg10 : memref<!tpu.dma_semaphore, #tpu.memory_space<semaphore_mem>>) src(%dma_wait3A_260 : memref<100000x128xf32, #tpu.memory_space<hbm>>) dst(%dma_wait3A_254 : memref<128x128xf32, #tpu.memory_space<vmem>>)
    %dma_wait3A_261 = arith.constant 0 : i32
    %dma_wait3A_262 = tpu.memref_slice %arg9[%add3A_228, %dma_wait3A_261] : memref<4096x128xf32, #tpu.memory_space<vmem_shared>> -> memref<128x128xf32, #tpu.memory_space<vmem_shared>>
    %dma_wait3A_263 = arith.constant 0 : i32
    %dma_wait3A_264 = tpu.memref_slice %arg4[%add3A_226, %dma_wait3A_263] : memref<2048x128xf32, #tpu.memory_space<hbm>> -> memref<128x128xf32, #tpu.memory_space<hbm>>
    tpu.wait_dma2 semaphore(%arg12 : memref<!tpu.dma_semaphore, #tpu.memory_space<semaphore_mem>>) src(%dma_wait3A_264 : memref<128x128xf32, #tpu.memory_space<hbm>>) dst(%dma_wait3A_262 : memref<128x128xf32, #tpu.memory_space<vmem_shared>>)
    %run_scoped3A = arith.constant 0 : i32
    "tpu.region"() ({
      %run_scoped3A_304 = tpu.sem_alloc : memref<!tpu.dma_semaphore, #tpu.memory_space<semaphore_mem>>
      %dma_start3A_305 = arith.constant 0 : i32
      %dma_start3A_306 = arith.constant 0 : i32
      %dma_start3A_307 = tpu.memref_slice %arg7[%dma_start3A_305, %dma_start3A_306] : memref<256x128xf32, #tpu.memory_space<vmem>> -> memref<128x128xf32, #tpu.memory_space<vmem>>
      %dma_start3A_308 = arith.constant 0 : i32
      %dma_start3A_309 = tpu.memref_slice %arg8[%run_scoped3A, %dma_start3A_308] : memref<2x128xi32, #tpu.memory_space<vmem>> -> memref<1x128xi32, #tpu.memory_space<vmem>>
      %dma_start3A_310 = tpu.memref_squeeze %dma_start3A_309 : memref<1x128xi32, #tpu.memory_space<vmem>> -> memref<128xi32, #tpu.memory_space<vmem>>
      %dma_start3A_311 = arith.constant 0 : i32
      %dma_start3A_312 = arith.constant 0 : i32
      %dma_start3A_313 = tpu.memref_slice %arg9[%dma_start3A_311, %dma_start3A_312] : memref<4096x128xf32, #tpu.memory_space<vmem_shared>> -> memref<4096x128xf32, #tpu.memory_space<vmem_shared>>
      tpu.enqueue_indirect_dma source(%dma_start3A_307 : memref<128x128xf32, #tpu.memory_space<vmem>>) target(%dma_start3A_313 : memref<4096x128xf32, #tpu.memory_space<vmem_shared>>) offsets(%dma_start3A_310 : memref<128xi32, #tpu.memory_space<vmem>>) semaphore(%run_scoped3A_304 : memref<!tpu.dma_semaphore, #tpu.memory_space<semaphore_mem>>) {add = true}
      %dma_wait3A_314 = arith.constant 0 : i32
      %dma_wait3A_315 = arith.constant 0 : i32
      %dma_wait3A_316 = tpu.memref_slice %arg7[%dma_wait3A_314, %dma_wait3A_315] : memref<256x128xf32, #tpu.memory_space<vmem>> -> memref<128x128xf32, #tpu.memory_space<vmem>>
      %dma_wait3A_317 = arith.constant 0 : i32
      %dma_wait3A_318 = tpu.memref_slice %arg8[%run_scoped3A, %dma_wait3A_317] : memref<2x128xi32, #tpu.memory_space<vmem>> -> memref<1x128xi32, #tpu.memory_space<vmem>>
      %dma_wait3A_319 = tpu.memref_squeeze %dma_wait3A_318 : memref<1x128xi32, #tpu.memory_space<vmem>> -> memref<128xi32, #tpu.memory_space<vmem>>
      %dma_wait3A_320 = arith.constant 0 : i32
      %dma_wait3A_321 = arith.constant 0 : i32
      %dma_wait3A_322 = tpu.memref_slice %arg9[%dma_wait3A_320, %dma_wait3A_321] : memref<4096x128xf32, #tpu.memory_space<vmem_shared>> -> memref<4096x128xf32, #tpu.memory_space<vmem_shared>>
      tpu.wait_indirect_dma semaphore(%run_scoped3A_304 : memref<!tpu.dma_semaphore, #tpu.memory_space<semaphore_mem>>) src(%dma_wait3A_316 : memref<128x128xf32, #tpu.memory_space<vmem>>) dst(%dma_wait3A_322 : memref<4096x128xf32, #tpu.memory_space<vmem_shared>>)
      tpu.yield
    }) : () -> ()
    %add3A_265 = arith.constant 0 : i32
    %add3A_266 = arith.addi %mul3A_6, %add3A_265 : i32
    %add3A_267 = arith.constant 0 : i32
    %add3A_268 = arith.addi %mul3A_2, %add3A_267 : i32
    %dma_start3A_269 = arith.constant 0 : i32
    %dma_start3A_270 = tpu.memref_slice %arg5[%add3A_268, %dma_start3A_269] : memref<8192x128xf32, #tpu.memory_space<hbm>> -> memref<128x128xf32, #tpu.memory_space<hbm>>
    %dma_start3A_271 = arith.constant 0 : i32
    %dma_start3A_272 = tpu.memref_slice %arg9[%add3A_266, %dma_start3A_271] : memref<4096x128xf32, #tpu.memory_space<vmem_shared>> -> memref<128x128xf32, #tpu.memory_space<vmem_shared>>
    tpu.enqueue_dma source(%dma_start3A_272 : memref<128x128xf32, #tpu.memory_space<vmem_shared>>) target(%dma_start3A_270 : memref<128x128xf32, #tpu.memory_space<hbm>>) target_semaphore(%arg14 : memref<!tpu.dma_semaphore, #tpu.memory_space<semaphore_mem>>)
    %dma_wait3A_273 = arith.constant 0 : i32
    %dma_wait3A_274 = arith.constant 128 : i32
    %dma_wait3A_275 = arith.constant 0 : i32
    %dma_wait3A_276 = tpu.memref_slice %arg7[%dma_wait3A_274, %dma_wait3A_275] : memref<256x128xf32, #tpu.memory_space<vmem>> -> memref<128x128xf32, #tpu.memory_space<vmem>>
    %dma_wait3A_277 = arith.constant 128 : i32
    %dma_wait3A_278 = tpu.memref_slice %arg6[%dma_wait3A_273, %dma_wait3A_277] : memref<1x256xi32, #tpu.memory_space<vmem>> -> memref<1x128xi32, #tpu.memory_space<vmem>>
    %dma_wait3A_279 = tpu.memref_squeeze %dma_wait3A_278 : memref<1x128xi32, #tpu.memory_space<vmem>> -> memref<128xi32, #tpu.memory_space<vmem>>
    %dma_wait3A_280 = arith.constant 0 : i32
    %dma_wait3A_281 = arith.constant 0 : i32
    %dma_wait3A_282 = tpu.memref_slice %arg3[%dma_wait3A_280, %dma_wait3A_281] : memref<100000x128xf32, #tpu.memory_space<hbm>> -> memref<100000x128xf32, #tpu.memory_space<hbm>>
    tpu.wait_indirect_dma semaphore(%arg11 : memref<!tpu.dma_semaphore, #tpu.memory_space<semaphore_mem>>) src(%dma_wait3A_282 : memref<100000x128xf32, #tpu.memory_space<hbm>>) dst(%dma_wait3A_276 : memref<128x128xf32, #tpu.memory_space<vmem>>)
    %dma_wait3A_283 = arith.constant 0 : i32
    %dma_wait3A_284 = tpu.memref_slice %arg9[%add3A_246, %dma_wait3A_283] : memref<4096x128xf32, #tpu.memory_space<vmem_shared>> -> memref<128x128xf32, #tpu.memory_space<vmem_shared>>
    %dma_wait3A_285 = arith.constant 0 : i32
    %dma_wait3A_286 = tpu.memref_slice %arg4[%add3A_244, %dma_wait3A_285] : memref<2048x128xf32, #tpu.memory_space<hbm>> -> memref<128x128xf32, #tpu.memory_space<hbm>>
    tpu.wait_dma2 semaphore(%arg13 : memref<!tpu.dma_semaphore, #tpu.memory_space<semaphore_mem>>) src(%dma_wait3A_286 : memref<128x128xf32, #tpu.memory_space<hbm>>) dst(%dma_wait3A_284 : memref<128x128xf32, #tpu.memory_space<vmem_shared>>)
    %run_scoped3A_287 = arith.constant 1 : i32
    "tpu.region"() ({
      %run_scoped3A_304 = tpu.sem_alloc : memref<!tpu.dma_semaphore, #tpu.memory_space<semaphore_mem>>
      %dma_start3A_305 = arith.constant 128 : i32
      %dma_start3A_306 = arith.constant 0 : i32
      %dma_start3A_307 = tpu.memref_slice %arg7[%dma_start3A_305, %dma_start3A_306] : memref<256x128xf32, #tpu.memory_space<vmem>> -> memref<128x128xf32, #tpu.memory_space<vmem>>
      %dma_start3A_308 = arith.constant 0 : i32
      %dma_start3A_309 = tpu.memref_slice %arg8[%run_scoped3A_287, %dma_start3A_308] : memref<2x128xi32, #tpu.memory_space<vmem>> -> memref<1x128xi32, #tpu.memory_space<vmem>>
      %dma_start3A_310 = tpu.memref_squeeze %dma_start3A_309 : memref<1x128xi32, #tpu.memory_space<vmem>> -> memref<128xi32, #tpu.memory_space<vmem>>
      %dma_start3A_311 = arith.constant 0 : i32
      %dma_start3A_312 = arith.constant 0 : i32
      %dma_start3A_313 = tpu.memref_slice %arg9[%dma_start3A_311, %dma_start3A_312] : memref<4096x128xf32, #tpu.memory_space<vmem_shared>> -> memref<4096x128xf32, #tpu.memory_space<vmem_shared>>
      tpu.enqueue_indirect_dma source(%dma_start3A_307 : memref<128x128xf32, #tpu.memory_space<vmem>>) target(%dma_start3A_313 : memref<4096x128xf32, #tpu.memory_space<vmem_shared>>) offsets(%dma_start3A_310 : memref<128xi32, #tpu.memory_space<vmem>>) semaphore(%run_scoped3A_304 : memref<!tpu.dma_semaphore, #tpu.memory_space<semaphore_mem>>) {add = true}
      %dma_wait3A_314 = arith.constant 128 : i32
      %dma_wait3A_315 = arith.constant 0 : i32
      %dma_wait3A_316 = tpu.memref_slice %arg7[%dma_wait3A_314, %dma_wait3A_315] : memref<256x128xf32, #tpu.memory_space<vmem>> -> memref<128x128xf32, #tpu.memory_space<vmem>>
      %dma_wait3A_317 = arith.constant 0 : i32
      %dma_wait3A_318 = tpu.memref_slice %arg8[%run_scoped3A_287, %dma_wait3A_317] : memref<2x128xi32, #tpu.memory_space<vmem>> -> memref<1x128xi32, #tpu.memory_space<vmem>>
      %dma_wait3A_319 = tpu.memref_squeeze %dma_wait3A_318 : memref<1x128xi32, #tpu.memory_space<vmem>> -> memref<128xi32, #tpu.memory_space<vmem>>
      %dma_wait3A_320 = arith.constant 0 : i32
      %dma_wait3A_321 = arith.constant 0 : i32
      %dma_wait3A_322 = tpu.memref_slice %arg9[%dma_wait3A_320, %dma_wait3A_321] : memref<4096x128xf32, #tpu.memory_space<vmem_shared>> -> memref<4096x128xf32, #tpu.memory_space<vmem_shared>>
      tpu.wait_indirect_dma semaphore(%run_scoped3A_304 : memref<!tpu.dma_semaphore, #tpu.memory_space<semaphore_mem>>) src(%dma_wait3A_316 : memref<128x128xf32, #tpu.memory_space<vmem>>) dst(%dma_wait3A_322 : memref<4096x128xf32, #tpu.memory_space<vmem_shared>>)
      tpu.yield
    }) : () -> ()
    %add3A_288 = arith.constant 128 : i32
    %add3A_289 = arith.addi %mul3A_6, %add3A_288 : i32
    %add3A_290 = arith.constant 128 : i32
    %add3A_291 = arith.addi %mul3A_2, %add3A_290 : i32
    %dma_start3A_292 = arith.constant 0 : i32
    %dma_start3A_293 = tpu.memref_slice %arg5[%add3A_291, %dma_start3A_292] : memref<8192x128xf32, #tpu.memory_space<hbm>> -> memref<128x128xf32, #tpu.memory_space<hbm>>
    %dma_start3A_294 = arith.constant 0 : i32
    %dma_start3A_295 = tpu.memref_slice %arg9[%add3A_289, %dma_start3A_294] : memref<4096x128xf32, #tpu.memory_space<vmem_shared>> -> memref<128x128xf32, #tpu.memory_space<vmem_shared>>
    tpu.enqueue_dma source(%dma_start3A_295 : memref<128x128xf32, #tpu.memory_space<vmem_shared>>) target(%dma_start3A_293 : memref<128x128xf32, #tpu.memory_space<hbm>>) target_semaphore(%arg14 : memref<!tpu.dma_semaphore, #tpu.memory_space<semaphore_mem>>)
    %dma_wait3A_296 = arith.constant 0 : i32
    %dma_wait3A_297 = tpu.memref_slice %arg5[%add3A_268, %dma_wait3A_296] : memref<8192x128xf32, #tpu.memory_space<hbm>> -> memref<128x128xf32, #tpu.memory_space<hbm>>
    %dma_wait3A_298 = arith.constant 0 : i32
    %dma_wait3A_299 = tpu.memref_slice %arg9[%add3A_266, %dma_wait3A_298] : memref<4096x128xf32, #tpu.memory_space<vmem_shared>> -> memref<128x128xf32, #tpu.memory_space<vmem_shared>>
    tpu.wait_dma2 semaphore(%arg14 : memref<!tpu.dma_semaphore, #tpu.memory_space<semaphore_mem>>) src(%dma_wait3A_299 : memref<128x128xf32, #tpu.memory_space<vmem_shared>>) dst(%dma_wait3A_297 : memref<128x128xf32, #tpu.memory_space<hbm>>)
    %dma_wait3A_300 = arith.constant 0 : i32
    %dma_wait3A_301 = tpu.memref_slice %arg5[%add3A_291, %dma_wait3A_300] : memref<8192x128xf32, #tpu.memory_space<hbm>> -> memref<128x128xf32, #tpu.memory_space<hbm>>
    %dma_wait3A_302 = arith.constant 0 : i32
    %dma_wait3A_303 = tpu.memref_slice %arg9[%add3A_289, %dma_wait3A_302] : memref<4096x128xf32, #tpu.memory_space<vmem_shared>> -> memref<128x128xf32, #tpu.memory_space<vmem_shared>>
    tpu.wait_dma2 semaphore(%arg14 : memref<!tpu.dma_semaphore, #tpu.memory_space<semaphore_mem>>) src(%dma_wait3A_303 : memref<128x128xf32, #tpu.memory_space<vmem_shared>>) dst(%dma_wait3A_301 : memref<128x128xf32, #tpu.memory_space<hbm>>)
    return
  }
}

</mosaic_0001>

<sc_bundles>
// kernel: kernel.3.cloned.1.call-start
scs
__scs_entry_jumppad:
0x0: {  	(pc) =	sbr.rel $0x88, $3  }
0x1: {  	(tag) =	ssettag $0x0;
	lr =	simm.s32 $0x1  }
0x2: {  	[smem:$0x3F9E] =	sst lr;
	_ =	strace $0xD0000000  }
0x3: {  	_ = 	snop  }
0x4: {  	_ = 	snop  }
0x5: {  	_ = 	snop  }
0x6: {  	_ = 	snop  }
0x7: {  	_ = 	snop  }
__scs_overlays_trampoline_lowered:
0x8: {  	[smem:$0x3FAD] =	sst s0  }
0x9: {  	[smem:$0x3FAE] =	sst s1  }
0xa: {  	[smem:$0x3FAF] =	sst s2  }
0xb: {  	[smem:$0x3FB0] =	sst s3  }
0xc: {  	[smem:$0x3FB1] =	sst s4  }
0xd: {  	[smem:$0x3FB2] =	sst s5  }
0xe: {  	[smem:$0x3FB3] =	sst s6  }
0xf: {  	[smem:$0x3FB4] =	sst s7  }
0x10: {  	[smem:$0x3FB5] =	sst s8  }
0x11: {  	[smem:$0x3FB6] =	sst s9;
	s0 =	simm.s32 @!p0 $0x0  }
0x12: {  	s1 =	sld [smem:$0x3F9C];
	s0 =	simm.s32 @p0 $0x1  }
0x13: {  	[smem:$0x3FB7] =	sst s0;
	s0 =	simm.s32 @!p1 $0x0  }
0x14: {  	s2 =	sld [smem:$0x3F9B];
	s0 =	simm.s32 @p1 $0x1  }
0x15: {  	[smem:$0x3FB8] =	sst s0;
	s0 =	simm.s32 @!p2 $0x0  }
0x16: {  	s3 =	sld [smem:$0x3FDB];
	s0 =	simm.s32 @p2 $0x1  }
0x17: {  	s4 =	simm.s32 $0x1BF5;
	[smem:$0x3FBA] =	sst s0  }
0x18: {  	s0 =	sld [smem:$0x3F9D];
	_ =	swait.ge [sflag:s4], $0x0  }
0x19: {  	s7 =	sld [smem:$0x3F9E]  }
0x1a: {  	s8 =	sadd.s32 $0xFFFFE003, lr  }
0x1b: {  	s9 =	sadd.s32 $0xFFFFFEF7, lr;
	s5 =	simm.s32 $0xFFFFFFFF;
	p2 =	slt.u32 s8, $0xFFFFF086  }
0x1c: {  	p1 =	slt.u32 s9, $0xF7A;
	s5 =	simm.s32 @!p2 $0x0  }
0x1d: {  	s5 =	simm.s32 @p1 $0x1;
	p0 =	seq.s32 s7, s2  }
0x1e: {  	s7 =	smul.u32 @!p0 $0xF7A, s2;
	p2 =	seq.s32 @!p0 s5, $0x0  }
0x1f: {  	s9 =	smul.u32 $0xF7A, s1;
	s8 =	simm.s32 @!p0 $0x1BF5;
	p2 =	por !p2, p0  }
0x20: {  	[sflag:s8] =	ssyncset.s32 @!p0 $0xFFFFF086;
	s6 =	sadd.s32 @!p0 s3, s7;
	s7 =	simm.s32 @!p0 $0x108  }
0x21: {  	s3 =	sadd.s32 s3, s9;
	s6 =	sadd.s32 @!p0 $0x88, s6;
	s7 =	simm.s32 @p2 $0x1082  }
0x22: {  	[simem:s7], [sflag:s8] =	dma.local @!p0 [hbm:s6], $0xF7A  }
0x23: {  	s9 =	sor.u32 $0xD0000000, s2;
	s6 =	simm.s32 $0x108;
	_ =	swait.ge @!p0 [sflag:s8], $0x0  }
0x24: {  	s3 =	sadd.s32 $0x88, s3;
	s6 =	simm.s32 @!p1 $0x1082;
	[sflag:s4] =	ssyncset.s32 $0xFFFFF086  }
0x25: {  	[simem:s6], [sflag:s4] =	dma.local [hbm:s3], $0xF7A  }
0x26: {  	[smem:$0x3F9E] =	sst s1;
	(tag) =	ssettag s2;
	_ =	strace s9  }
0x27: {  	s1 =	sld [smem:$0x3FAE]  }
0x28: {  	s2 =	sld [smem:$0x3FAF]  }
0x29: {  	s4 =	sld [smem:$0x3FB1]  }
0x2a: {  	p0 =	seq.s32 s5, $0x0;
	s5 =	sld [smem:$0x3FB2]  }
0x2b: {  	s6 =	sld [smem:$0x3FB3]  }
0x2c: {  	s7 =	sld [smem:$0x3FB4]  }
0x2d: {  	s3 =	simm.s32 $0x108;
	s8 =	sld [smem:$0x3FB5]  }
0x2e: {  	s3 =	simm.s32 @!p0 $0x1082;
	s9 =	sld [smem:$0x3FB6]  }
0x2f: {  	lr =	sadd.s32 s0, s3;
	s0 =	sld [smem:$0x3FAD]  }
0x30: {  	s3 =	sld [smem:$0x3FB0]  }
0x31: {  	[smem:$0x3FB9] =	sst s10  }
0x32: {  	s10 =	sld [smem:$0x3FB7];
	_ =	sdelay $0x3  }
0x33: {  	p0 =	seq.s32 s10, $0x1;
	s10 =	sld [smem:$0x3FB9];
	_ =	sdelay $0x3  }
0x34: {  	[smem:$0x3FB9] =	sst s10  }
0x35: {  	s10 =	sld [smem:$0x3FB8];
	_ =	sdelay $0x3  }
0x36: {  	p1 =	seq.s32 s10, $0x1;
	s10 =	sld [smem:$0x3FB9];
	_ =	sdelay $0x3  }
0x37: {  	[smem:$0x3FB9] =	sst s10  }
0x38: {  	s10 =	sld [smem:$0x3FBA]  }
0x39: {  	_ = 	snop;
	(pc) =	sbr.ind lr, $3  }
0x3a: {  	_ = 	snop  }
0x3b: {  	_ = 	snop  }
0x3c: {  	p2 =	seq.s32 s10, $0x1;
	s10 =	sld [smem:$0x3FB9]  }
0x3d: {  	_ =	shalt  }
0x3e: {  	_ =	shalt  }
0x3f: {  	_ =	shalt  }
0x40: {  	_ =	shalt  }
0x41: {  	_ =	shalt  }
0x42: {  	_ =	shalt  }
0x43: {  	_ =	shalt  }
0x44: {  	_ =	shalt  }
0x45: {  	_ =	shalt  }
0x46: {  	_ =	shalt  }
0x47: {  	_ =	shalt  }
0x48: {  	_ =	shalt  }
0x49: {  	_ =	shalt  }
0x4a: {  	_ =	shalt  }
0x4b: {  	_ =	shalt  }
0x4c: {  	_ =	shalt  }
0x4d: {  	_ =	shalt  }
0x4e: {  	_ =	shalt  }
0x4f: {  	_ =	shalt  }
0x50: {  	_ =	shalt  }
0x51: {  	_ =	shalt  }
0x52: {  	_ =	shalt  }
0x53: {  	_ =	shalt  }
0x54: {  	_ =	shalt  }
0x55: {  	_ =	shalt  }
0x56: {  	_ =	shalt  }
0x57: {  	_ =	shalt  }
0x58: {  	_ =	shalt  }
0x59: {  	_ =	shalt  }
0x5a: {  	_ =	shalt  }
0x5b: {  	_ =	shalt  }
0x5c: {  	_ =	shalt  }
0x5d: {  	_ =	shalt  }
0x5e: {  	_ =	shalt  }
0x5f: {  	_ =	shalt  }
0x60: {  	_ =	shalt  }
0x61: {  	_ =	shalt  }
0x62: {  	_ =	shalt  }
0x63: {  	_ =	shalt  }
0x64: {  	_ =	shalt  }
0x65: {  	_ =	shalt  }
0x66: {  	_ =	shalt  }
0x67: {  	_ =	shalt  }
0x68: {  	_ =	shalt  }
0x69: {  	_ =	shalt  }
0x6a: {  	_ =	shalt  }
0x6b: {  	_ =	shalt  }
0x6c: {  	_ =	shalt  }
0x6d: {  	_ =	shalt  }
0x6e: {  	_ =	shalt  }
0x6f: {  	_ =	shalt  }
0x70: {  	_ =	shalt  }
0x71: {  	_ =	shalt  }
0x72: {  	_ =	shalt  }
0x73: {  	_ =	shalt  }
0x74: {  	_ =	shalt  }
0x75: {  	_ =	shalt  }
0x76: {  	_ =	shalt  }
0x77: {  	_ =	shalt  }
0x78: {  	_ =	shalt  }
0x79: {  	_ =	shalt  }
0x7a: {  	_ =	shalt  }
0x7b: {  	_ =	shalt  }
0x7c: {  	_ =	shalt  }
0x7d: {  	_ =	shalt  }
0x7e: {  	_ =	shalt  }
0x7f: {  	_ =	shalt  }
0x80: {  	_ =	shalt  }
0x81: {  	_ =	shalt  }
0x82: {  	_ =	shalt  }
0x83: {  	_ =	shalt  }
0x84: {  	_ =	shalt  }
0x85: {  	_ =	shalt  }
0x86: {  	_ =	shalt  }
0x87: {  	_ =	shalt  }
.Lfunc_end0:
.L_simem_size_0:
called_computation_lowered:
.L_overlay_start_0:
0x88: {  	s2 =	sld [smem:$0x3FD9]  }
0x89: {  	s3 =	sld [smem:$0x3FFE];
	_ =	sdelay $0x1  }
0x8a: {  	s1 =	srdreg.scid  }
0x8b: {  	s0 =	sand.u32 $0x1, s1  }
0x8c: {  	s18 =	sshll.u32 s0, $0xA;
	s2 =	sadd.s32 s3, s2  }
0x8d: {  	s2 =	sadd.s32 s2, s18  }
0x8e: {  	[smem:$0x3FC5] =	sst s2  }
0x8f: {  	_ = 	snop  }
0x90: {  	s2 =	sld [smem:$0x3FC9]  }
0x91: {  	s19 =	sld [smem:$0x3FC8]  }
0x92: {  	s4 =	sld [smem:$0x3FC7]  }
0x93: {  	s5 =	sld [smem:$0x3FD0];
	(tm) =	ssettm $0x1  }
0x94: {  	s6 =	sld [smem:$0x3FFB];
	_ =	sdelay $0x3  }
0x95: {  	_ =	strace s6  }
0x96: {  	s6 =	sld [smem:$0x3FFC];
	_ =	sdelay $0x3  }
0x97: {  	_ =	strace s6  }
0x98: {  	s6 =	sld [smem:$0x3FFD];
	_ =	sdelay $0x3  }
0x99: {  	_ =	strace s6  }
0x9a: {  	_ =	strace $0x8FFFFFFF  }
0x9b: {  	s20 =	sld [smem:$0x3FDB];
	_ =	sdelay $0x1  }
0x9c: {  	s7 =	simm.s32 $_scs_section_size  }
0x9d: {  	s8 =	simm.s32 $_size__tile_overlayer_lowered;
	s9 =	simm.s32 $_tile_overlayer_lowered  }
0x9e: {  	s23 =	simm.s32 $0x1BFF;
	s22 =	sshll.u32 s9, $0x1;
	s6 =	sadd.s32 s7, s20  }
0x9f: {  	s10 =	simm.s32 $0x0;
	s21 =	sshll.u32 s8, $0x1;
	s8 =	sadd.s32 s22, s6  }
0xa0: {  	[timem:s10], [sflag:s23] =	dma.local [hbm:s8], s21  }
0xa1: {  	_ =	swait.ge [sflag:s23], s21  }
0xa2: {  	s7 =	ssub.s32 $0x0, s21;
	[sflag:s23] =	ssyncset.done $0x0  }
0xa3: {  	[sflag:s23] =	ssyncadd.s32 s7;
	_ =	sdelay $0x1  }
0xa4: {  	s24 =	simm.s32 $0x1B8B  }
0xa5: {  	_ =	swait.ge [sflag:s24], $0x1  }
0xa6: {  	[sflag:s24] =	ssyncset.done $0x0  }
0xa7: {  	s25 =	simm.s32 $0x1B8E;
	[sflag:s24] =	ssyncadd.s32 $0xFFFFFFFF  }
0xa8: {  	s26 =	simm.s32 $execute0_lowered;
	[smem:$0x3FD2] =	sst s25  }
0xa9: {  	s7 =	sshll.u32 s26, $0x1;
	_ =	strace $0x80000046;
	[dreg:$0x1] =	wrdreg $0xFFFFFFFF  }
0xaa: {  	s28 =	simm.s32 $_size_execute0_lowered;
	s6 =	sadd.s32 s6, s7;
	[dreg:$0x0] =	wrdreg $0x0  }
0xab: {  	s7 =	sshll.u32 s28, $0x1;
	[dreg:$0x2] =	wrdreg s6  }
0xac: {  	[dreg:$0x3] =	wrdreg s7  }
0xad: {  	[dreg:$0x4] =	wrdreg $0xC0  }
0xae: {  	_ =	task [dreg:s10], $0x5FFFF  }
0xaf: {  	[dreg:$0x1] =	wrdreg $0xFFFFFFFF  }
0xb0: {  	[dreg:$0x0] =	wrdreg $0x60  }
0xb1: {  	[dreg:$0x2] =	wrdreg s2  }
0xb2: {  	[dreg:$0x3] =	wrdreg s19  }
0xb3: {  	[dreg:$0x4] =	wrdreg s4  }
0xb4: {  	[dreg:$0x5] =	wrdreg s5  }
0xb5: {  	[dreg:$0x6] =	wrdreg $0x82000  }
0xb6: {  	[dreg:$0x7] =	wrdreg $0x9  }
0xb7: {  	_ =	task.clear_ibuf [dreg:s10], $0x8FFFF;
	_ =	strace $0x90000046  }
0xb8: {  	s29 =	simm.s32 $0x9;
	_ =	strace $0x80000048  }
0xb9: {  	_ =	swait.ge [sflag:s29], $0x1  }
0xba: {  	[sflag:s29] =	ssyncadd.s32 $0xFFFFFFFF  }
0xbb: {  	_ =	strace $0x90000048  }
0xbc: {  	_ =	sfence  }
0xbd: {  	s30 =	sld [smem:$0x0];
	_ =	sdelay $0x2  }
0xbe: {  	s31 =	sshll.u32 s1, $0xD;
	s1 =	sshrl.u32 s1, $0x2  }
0xbf: {  	s3 =	sand.u32 $0x4000, s31;
	s1 =	sadd.s32 s1, s30  }
0xc0: {  	s0 =	sor.u32 s3, s0;
	s1 =	sshll.u32 s1, $0x11  }
0xc1: {  	s0 =	sor.u32 s1, s0  }
0xc2: {  	s0 =	sadd.s32 $0x8F2B, s0  }
0xc3: {  	[sflag:s0] =	ssyncadd.remote.s32 $0x1  }
0xc4: {  	_ =	sfence.sel $0xFFFF  }
0xc5: {  	[dreg:$0x0] =	wrdreg $0xFFFFFFFF;
	(pc) =	sbr.abs _section_cstart, $3  }
0xc6: {  	[dreg:$0x1] =	wrdreg $0xFFFFFFFF  }
0xc7: {  	_ =	task.clear_ibuf [dreg:s10], $0x2FFFF;
	_ =	strace $0x9FFFFFFF  }
0xc8: {  	(tm) =	ssettm $0x7FFFFFFF  }
0xc9: {  	_ =	shalt  }
tec
execute0_lowered:
.L_overlay_start_1:
0x0: {  	(tag) =	ssettag $0x1  }
0x1: {  	s1 =	srdreg.scid;
	s5 =	rddreg [dreg:$0x0]  }
0x2: {  	s0 =	stileid.u32;
	s2 =	rddreg [dreg:$0x1]  }
0x3: {  	s8 =	rddreg [dreg:$0x2];
	s18 =	sand.u32 $0x1, s1;
	s26 =	sshll.u32 s0, $0x1  }
0x4: {  	s20 =	rddreg [dreg:$0x3];
	s21 =	sor.u32 s18, s26  }
0x5: {  	s3 =	rddreg [dreg:$0x4];
	s4 =	simm.s32 $0x0;
	s1 =	sshll.u32 s21, $0x8  }
0x6: {  	s30 =	sshll.u32 s0, $0x5;
	[smem:$0x7FF] =	sst s4;
	s9 =	sand.u32 $0x700, s1  }
0x7: {  	s10 =	sshll.u32 s0, $0x8;
	s7 =	sand.u32 $0x180, s30;
	s6 =	sshll.u32 s9, $0x2  }
0x8: {  	s11 =	sor.u32 $0xE0, s10;
	s12 =	sor.u32 $0xF0, s10;
	s6 =	sor.u32 s7, s6  }
0x9: {  	s1 =	rddreg [dreg:$0x5];
	_ =	strace $0x80000047;
	s6 =	sshrl.u32 s6, $0x3  }
0xa: {  	v15 =	vlaneseq.u32;
	s7 =	simm.s32 $0x200;
	s6 =	sadd.s32 s5, s6;
	s5 =	simm.s32 $0x80  }
0xb: {  	v0 =	vor.u32 s12, v15;
	[tilespmem:s4], [sflag:$0x6] =	stream.strided.gather [hbm4b:s6+s5], $0x100, s7, s5, $0x38;
	[tilespmem:$0x10200] =	vst v63  }
0xc: {  	s31 =	sor.u32 $0xD0, s10;
	v1 =	vor.u32 s11, v15;
	[tilespmem:$0x81F0] =	vst v0  }
0xd: {  	s13 =	sor.u32 $0xC0, s10;
	v2 =	vor.u32 s31, v15;
	[tilespmem:$0x81E0] =	vst v1  }
0xe: {  	s14 =	sor.u32 $0xB0, s10;
	v3 =	vor.u32 s13, v15;
	[tilespmem:$0x81D0] =	vst v2  }
0xf: {  	s15 =	sor.u32 $0xA0, s10;
	v4 =	vor.u32 s14, v15;
	[tilespmem:$0x81C0] =	vst v3  }
0x10: {  	s16 =	sor.u32 $0x90, s10;
	v5 =	vor.u32 s15, v15;
	[tilespmem:$0x81B0] =	vst v4  }
0x11: {  	s17 =	sor.u32 $0x80, s10;
	v6 =	vor.u32 s16, v15;
	[tilespmem:$0x81A0] =	vst v5  }
0x12: {  	s19 =	sor.u32 $0x70, s10;
	v7 =	vor.u32 s17, v15;
	[tilespmem:$0x8190] =	vst v6  }
0x13: {  	s13 =	sor.u32 $0x60, s10;
	v8 =	vor.u32 s19, v15;
	[tilespmem:$0x8180] =	vst v7  }
0x14: {  	s22 =	sor.u32 $0x50, s10;
	v9 =	vor.u32 s13, v15;
	[tilespmem:$0x8170] =	vst v8  }
0x15: {  	s23 =	sor.u32 $0x40, s10;
	v10 =	vor.u32 s22, v15;
	[tilespmem:$0x8160] =	vst v9  }
0x16: {  	s24 =	sor.u32 $0x30, s10;
	v11 =	vor.u32 s23, v15;
	[tilespmem:$0x8150] =	vst v10  }
0x17: {  	s25 =	sor.u32 $0x20, s10;
	v12 =	vor.u32 s24, v15;
	[tilespmem:$0x8140] =	vst v11  }
0x18: {  	s26 =	sor.u32 $0x10, s10;
	s30 =	sshll.u32 s0, $0xF;
	v13 =	vor.u32 s25, v15;
	[tilespmem:$0x8130] =	vst v12  }
0x19: {  	v14 =	vor.u32 s10, v15;
	s31 =	sshll.u32 s17, $0x7;
	s10 =	sadd.s32 s30, s3;
	s11 =	simm.s32 $0x6;
	[tilespmem:$0x8120] =	vst v13  }
0x1a: {  	s23 =	sshll.u32 s0, $0x6;
	s12 =	simm.s32 $0x4100;
	v15 =	vor.u32 s26, v15;
	s17 =	sadd.s32 s31, s3;
	[tilespmem:$0x8100] =	vst v14  }
0x1b: {  	s13 =	simm.s32 $0x100;
	s14 =	sor.u32 $0x1C03, s23;
	s15 =	sshrl.u32 s10, $0x3;
	[tilespmem:$0x8110] =	vst v15  }
0x1c: {  	s16 =	sor.u32 $0x1C04, s23;
	s9 =	sshll.u32 s9, $0x4;
	_ =	swait.ge [sflag:s11], $0x100  }
0x1d: {  	s10 =	sshrl.u32 s17, $0x3;
	s8 =	sadd.s32 s8, s9;
	[sflag:s11] =	ssyncset.done $0x0  }
0x1e: {  	s17 =	simm.s32 $0x1;
	s9 =	sadd.s32 $0x800, s8;
	[sflag:s11] =	ssyncadd.s32 $0xFFFFFF00  }
0x1f: {  	[tilespmem:s13], [sflag:$0x1] =	stream.indirect.gather [hbm4b:s2+s5], $0x80, s4, s5, $0xb8;
	[tilespmem:$0x10200] =	vst v63  }
0x20: {  	[spmem:s15], [sflag:s14] =	dma.local [hbm:s8], $0x800  }
0x21: {  	[tilespmem:s12], [sflag:$0x2] =	stream.indirect.gather [hbm4b:s2+s5], $0x80, s5, s5, $0xb8;
	[tilespmem:$0x10200] =	vst v63  }
0x22: {  	[spmem:s10], [sflag:s16] =	dma.local [hbm:s9], $0x800  }
0x23: {  	_ =	swait.ge [sflag:s17], $0x4000  }
0x24: {  	s28 =	simm.s32 $0x8180;
	s24 =	ssub.s32 $0x2, s18;
	[sflag:s17] =	ssyncset.done $0x0  }
0x25: {  	s19 =	simm.s32 $0x3;
	s25 =	sshrl.u32 s24, $0x1;
	[sflag:s17] =	ssyncadd.s32 $0xFFFFC000  }
0x26: {  	s21 =	sshll.u32 s21, $0xC;
	s25 =	ssub.s32 s24, s25;
	_ =	swait.ge [sflag:s19], $0x800  }
0x27: {  	s22 =	simm.s32 $0x8100;
	s26 =	smax.u32 s25, $0x1;
	[sflag:s19] =	ssyncset.done $0x0  }
0x28: {  	s18 =	simm.s32 $0x7;
	p0 =	sne.s32 s26, $0x1;
	[sflag:s19] =	ssyncadd.s32 $0xFFFFF800  }
0x29: {  	[spmem:s3] =	stream.indirect.scatter.add.f32 [tilespmem:s13], [sflag:$0x7], $0x80, s22, s5, $0xb8;
	[tilespmem:$0x10200] =	vst v63  }
.Ltmp0:
0x2a: {  	s24 =	sadd.s32 s20, s21;
	_ =	swait.ge [sflag:s18], $0x4000;
	(pc) =	sbr.rel @!p0 .LBB2_2-.Ltmp0, $4  }
0x2b: {  	s21 =	sor.u32 $0x1C05, s23;
	s23 =	simm.s32 $0x5;
	[sflag:s18] =	ssyncset.done $0x0  }
0x2c: {  	s20 =	sadd.s32 $0x800, s24;
	s25 =	simm.s32 $0x2;
	[sflag:s18] =	ssyncadd.s32 $0xFFFFC000  }
0x2d: {  	[hbm:s24], [sflag:s21] =	dma.local [spmem:s15], $0x800  }
0x2e: {  	s29 =	sadd.s32 $0xFFFFFFFF, s26;
	s26 =	simm.s32 $0x4;
	_ =	swait.ge [sflag:s25], $0x4000  }
.LBB2_1:
0x2f: {  	p0 =	sne.s32 s29, $0x1;
	s29 =	sadd.s32 $0xFFFFFFFF, s29;
	[sflag:s25] =	ssyncset.done $0x0  }
0x30: {  	[sflag:s25] =	ssyncadd.s32 $0xFFFFC000  }
0x31: {  	_ =	swait.ge [sflag:s26], $0x800  }
0x32: {  	[sflag:s26] =	ssyncset.done $0x0  }
0x33: {  	[sflag:s26] =	ssyncadd.s32 $0xFFFFF800  }
0x34: {  	[spmem:s3] =	stream.indirect.scatter.add.f32 [tilespmem:s12], [sflag:$0x7], $0x80, s28, s5, $0xb8;
	[tilespmem:$0x10200] =	vst v63  }
0x35: {  	_ =	swait.ge [sflag:s18], $0x4000  }
0x36: {  	[sflag:s18] =	ssyncset.done $0x0  }
0x37: {  	[sflag:s18] =	ssyncadd.s32 $0xFFFFC000  }
0x38: {  	[hbm:s20], [sflag:s21] =	dma.local [spmem:s10], $0x800  }
0x39: {  	_ =	swait.ge [sflag:s23], $0x800  }
0x3a: {  	[sflag:s23] =	ssyncset.done $0x0  }
0x3b: {  	[sflag:s23] =	ssyncadd.s32 $0xFFFFF800  }
0x3c: {  	_ =	swait.ge [sflag:s23], $0x800  }
0x3d: {  	[sflag:s23] =	ssyncset.done $0x0  }
0x3e: {  	[sflag:s23] =	ssyncadd.s32 $0xFFFFF800  }
0x3f: {  	[tilespmem:s4], [sflag:$0x6] =	stream.strided.gather [hbm4b:s6+s5], $0x100, s7, s5, $0x38;
	[tilespmem:$0x10200] =	vst v63  }
0x40: {  	[tilespmem:$0x81F0] =	vst v0  }
0x41: {  	[tilespmem:$0x81E0] =	vst v1  }
0x42: {  	[tilespmem:$0x81D0] =	vst v2  }
0x43: {  	[tilespmem:$0x81C0] =	vst v3  }
0x44: {  	[tilespmem:$0x81B0] =	vst v4  }
0x45: {  	[tilespmem:$0x81A0] =	vst v5  }
0x46: {  	[tilespmem:$0x8190] =	vst v6  }
0x47: {  	[tilespmem:$0x8180] =	vst v7  }
0x48: {  	[tilespmem:$0x8170] =	vst v8  }
0x49: {  	[tilespmem:$0x8160] =	vst v9  }
0x4a: {  	[tilespmem:$0x8150] =	vst v10  }
0x4b: {  	[tilespmem:$0x8140] =	vst v11  }
0x4c: {  	[tilespmem:$0x8130] =	vst v12  }
0x4d: {  	[tilespmem:$0x8120] =	vst v13  }
0x4e: {  	[tilespmem:$0x8100] =	vst v14  }
0x4f: {  	[tilespmem:$0x8110] =	vst v15  }
0x50: {  	_ =	swait.ge [sflag:s11], $0x100  }
0x51: {  	[sflag:s11] =	ssyncset.done $0x0  }
0x52: {  	[sflag:s11] =	ssyncadd.s32 $0xFFFFFF00  }
0x53: {  	[tilespmem:s13], [sflag:$0x1] =	stream.indirect.gather [hbm4b:s2+s5], $0x80, s4, s5, $0xb8;
	[tilespmem:$0x10200] =	vst v63  }
0x54: {  	[spmem:s15], [sflag:s14] =	dma.local [hbm:s8], $0x800  }
0x55: {  	[tilespmem:s12], [sflag:$0x2] =	stream.indirect.gather [hbm4b:s2+s5], $0x80, s5, s5, $0xb8;
	[tilespmem:$0x10200] =	vst v63  }
0x56: {  	[spmem:s10], [sflag:s16] =	dma.local [hbm:s9], $0x800  }
0x57: {  	_ =	swait.ge [sflag:s17], $0x4000  }
0x58: {  	[sflag:s17] =	ssyncset.done $0x0  }
0x59: {  	[sflag:s17] =	ssyncadd.s32 $0xFFFFC000  }
0x5a: {  	_ =	swait.ge [sflag:s19], $0x800  }
0x5b: {  	[sflag:s19] =	ssyncset.done $0x0  }
0x5c: {  	[sflag:s19] =	ssyncadd.s32 $0xFFFFF800  }
0x5d: {  	[spmem:s3] =	stream.indirect.scatter.add.f32 [tilespmem:s13], [sflag:$0x7], $0x80, s22, s5, $0xb8;
	[tilespmem:$0x10200] =	vst v63  }
.Ltmp1:
0x5e: {  	_ =	swait.ge [sflag:s18], $0x4000;
	(pc) =	sbr.rel @p0 .LBB2_1-.Ltmp1, $4  }
0x5f: {  	[sflag:s18] =	ssyncset.done $0x0  }
0x60: {  	[sflag:s18] =	ssyncadd.s32 $0xFFFFC000  }
0x61: {  	[hbm:s24], [sflag:s21] =	dma.local [spmem:s15], $0x800  }
0x62: {  	_ =	swait.ge [sflag:s25], $0x4000  }
.LBB2_2:
0x63: {  	[sflag:s25] =	ssyncset.done $0x0  }
0x64: {  	[sflag:s25] =	ssyncadd.s32 $0xFFFFC000  }
0x65: {  	_ =	swait.ge [sflag:s26], $0x800  }
0x66: {  	[sflag:s26] =	ssyncset.done $0x0  }
0x67: {  	[sflag:s26] =	ssyncadd.s32 $0xFFFFF800  }
0x68: {  	[spmem:s3] =	stream.indirect.scatter.add.f32 [tilespmem:s12], [sflag:$0x7], $0x80, s28, s5, $0xb8;
	[tilespmem:$0x10200] =	vst v63  }
0x69: {  	_ =	swait.ge [sflag:s18], $0x4000  }
0x6a: {  	[sflag:s18] =	ssyncset.done $0x0  }
0x6b: {  	[sflag:s18] =	ssyncadd.s32 $0xFFFFC000  }
0x6c: {  	[hbm:s20], [sflag:s21] =	dma.local [spmem:s10], $0x800  }
0x6d: {  	_ =	swait.ge [sflag:s23], $0x800  }
0x6e: {  	[sflag:s23] =	ssyncset.done $0x0  }
0x6f: {  	[sflag:s23] =	ssyncadd.s32 $0xFFFFF800  }
0x70: {  	_ =	swait.ge [sflag:s23], $0x800  }
0x71: {  	[sflag:s23] =	ssyncset.done $0x0  }
0x72: {  	[sflag:s23] =	ssyncadd.s32 $0xFFFFF800  }
0x73: {  	_ =	sfence.sel $0x180000  }
0x74: {  	[bflag:$0x0] =	sbarrier.arrive $0xFFFF  }
0x75: {  	p0 =	sne.s32 s0, $0x0;
	_ =	strace $0x90000047  }
0x76: {  	s0 =	sadd.s32 @!p0 $0x100000, s1;
	[bflag:$0x2] =	sbarrier.arrive $0xFFFF  }
0x77: {  	[sflag:s0] =	ssyncadd.tile.s32 @!p0 $0x1;
	_ =	shalt  }
.Lfunc_end2:
_tile_overlayer_lowered:
.L_overlay_start_2:
0x78: {  	(tag) =	ssettag $0x2  }
0x79: {  	s0 =	rddreg [dreg:$0x0];
	s2 =	stileid.u32  }
0x7a: {  	s1 =	rddreg [dreg:$0x1];
	p0 =	sne.s32 s2, $0x0  }
0x7b: {  	s3 =	rddreg [dreg:$0x2];
	[bflag:$0x3] =	sbarrier.arrive $0xFFFF;
	s2 =	simm.s32 @!p0 $0x1C07  }
0x7c: {  	[timem:s3], [sflag:s2] =	dma.local @!p0 [hbm:s0], s1  }
0x7d: {  	s0 =	simm.s32 @!p0 $0x7  }
0x7e: {  	_ =	swait.ge @!p0 [sflag:s0], s1  }
0x7f: {  	s1 =	ssub.s32 @!p0 $0x0, s1;
	[sflag:s0] =	ssyncset.done @!p0 $0x0  }
0x80: {  	[sflag:s0] =	ssyncadd.s32 @!p0 s1  }
0x81: {  	[bflag:$0x3] =	sbarrier.arrive $0xFFFF  }
0x82: {  	_ =	shalt  }

</sc_bundles>
